<compile_context>
chip_gen: v7x
topology: tpu7x:2x2x1
jax: 0.10.2.dev20260603
libtpu: 0.0.44.dev20260713+nightly
codegen_flags: <defaults>
</compile_context>

<pallas_src>
import functools

import jax
import jax.numpy as jnp
from jax import lax
from jax.experimental import pallas as pl
from jax.experimental.pallas import tpu as pltpu
from jax.experimental.pallas import tpu_sc as plsc

B, N_UN, P_UN, D = 4, 75, 42, 128
N_M, P_M = 225, 126
N_TOT, P_TOT = N_UN + N_M, P_UN + P_M

NNB = 5
CHUNKS_PER_B = N_M // NNB
NCHUNKS = B * CHUNKS_PER_B
NW = 32
OUT_SHAPE = jax.ShapeDtypeStruct((B, N_TOT, P_TOT, D), jnp.float32)


def _const_vec_body(wt_ref, ws_ref, b_ref, tm_ref, sm_ref, cv_ref, tile_ref):
    tm = tm_ref[...]
    sm = sm_ref[...]
    g0 = jax.nn.sigmoid(
        jnp.dot(tm, wt_ref[...], preferred_element_type=jnp.float32)
        + jnp.dot(sm, ws_ref[...], preferred_element_type=jnp.float32)
        + b_ref[...]
    )
    cv = g0 * tm + (1.0 - g0) * sm
    cv_ref[...] = cv
    tile_ref[...] = jnp.broadcast_to(cv.reshape(1, 1, D), (NNB, P_TOT, D))


def _sc_fill_body(tile_hbm, out_hbm, buf, sem):
    wid = lax.axis_index("s") * 2 + lax.axis_index("c")
    pltpu.sync_copy(tile_hbm, buf)
    n_i = (NCHUNKS - wid + NW - 1) // NW

    def _fire(i, carry):
        cid = wid + i * NW
        bb = cid // CHUNKS_PER_B
        n0 = N_UN + (cid % CHUNKS_PER_B) * NNB
        pltpu.async_copy(buf, out_hbm.at[bb, pl.ds(n0, NNB)], sem)
        return carry

    lax.fori_loop(0, n_i, _fire, 0)

    def _drain(i, carry):
        pltpu.make_async_copy(buf, out_hbm.at[0, pl.ds(N_UN, NNB)], sem).wait()
        return carry

    lax.fori_loop(0, n_i, _drain, 0)


def _data_body(t_ref, s_ref, wt_ref, ws_ref, b_ref, cv_ref, filled_ref, out_ref):
    del filled_ref
    t = t_ref[0].reshape(N_UN * P_UN, D)
    s = s_ref[0].reshape(N_UN * P_UN, D)
    gate = jax.nn.sigmoid(
        jnp.dot(t, wt_ref[...], preferred_element_type=jnp.float32)
        + jnp.dot(s, ws_ref[...], preferred_element_type=jnp.float32)
        + b_ref[...]
    )
    fused = gate * t + (1.0 - gate) * s
    out_ref[0, :, :P_UN, :] = fused.reshape(N_UN, P_UN, D)
    out_ref[0, :, P_UN:, :] = jnp.broadcast_to(
        cv_ref[...].reshape(1, 1, D), (N_UN, P_M, D)
    )


def kernel(t_x, t_mti, t_uti, s_x, s_mti, s_uti, w_t, w_s, b, t_mask_token, s_mask_token):
    del t_mti, t_uti, s_mti, s_uti
    tm = t_mask_token.reshape(1, D)
    sm = s_mask_token.reshape(1, D)
    b2 = b.reshape(1, D)

    vmem = pl.BlockSpec(memory_space=pltpu.VMEM)

    cv, ctile = pl.pallas_call(
        _const_vec_body,
        in_specs=[vmem] * 5,
        out_specs=[vmem, vmem],
        out_shape=[
            jax.ShapeDtypeStruct((1, D), jnp.float32),
            jax.ShapeDtypeStruct((NNB, P_TOT, D), jnp.float32),
        ],
    )(w_t, w_s, b2, tm, sm)

    mesh = plsc.VectorSubcoreMesh(
        core_axis_name="c", subcore_axis_name="s", num_cores=2, num_subcores=16
    )
    filled = pl.kernel(
        _sc_fill_body,
        out_type=OUT_SHAPE,
        mesh=mesh,
        scratch_types=[
            pltpu.VMEM((NNB, P_TOT, D), jnp.float32),
            pltpu.SemaphoreType.DMA,
        ],
    )(ctile)

    data_spec = pl.BlockSpec((1, N_UN, P_UN, D), lambda bi: (bi, 0, 0, 0))
    full_spec = lambda shape: pl.BlockSpec(shape, lambda bi: (0,) * len(shape))
    out = pl.pallas_call(
        _data_body,
        grid=(B,),
        in_specs=[
            data_spec,
            data_spec,
            full_spec((D, D)),
            full_spec((D, D)),
            full_spec((1, D)),
            full_spec((1, D)),
            pl.BlockSpec(memory_space=pl.ANY),
        ],
        out_specs=pl.BlockSpec((1, N_UN, P_TOT, D), lambda bi: (bi, 0, 0, 0)),
        out_shape=OUT_SHAPE,
        input_output_aliases={6: 0},
    )(t_x, s_x, w_t, w_s, b2, cv, filled)
    return out

# --- scband reference (transcript-rebuilt; emitter-appended) ---
"""Pipeline reference for scband-encoder-fusion-56719338111233 (READ-ONLY COPY).

The authoritative reference and input builder live on the scoring server;
editing this copy changes nothing except your own understanding.
"""

import jax, jax.numpy as jnp
import numpy as np

B, N_UN, P_UN, D = 4, 75, 42, 128
N_M, P_M = 225, 126
N_TOT, P_TOT = N_UN + N_M, P_UN + P_M


def setup_inputs(seed: int = 0) -> dict:
    key = jax.random.key(seed)
    ks = jax.random.split(key, 8)
    return {
        "t_x": jax.random.normal(ks[0], (B, N_UN, P_UN, D), dtype=jnp.float32),
        "t_mti": jnp.arange(P_M, dtype=jnp.int32),
        "t_uti": jnp.arange(P_UN, dtype=jnp.int32),
        "s_x": jax.random.normal(ks[1], (B, N_UN, P_UN, D), dtype=jnp.float32),
        "s_mti": jnp.arange(N_M, dtype=jnp.int32),
        "s_uti": jnp.arange(N_UN, dtype=jnp.int32),
        "w_t": jax.random.normal(ks[2], (D, D), dtype=jnp.float32),
        "w_s": jax.random.normal(ks[3], (D, D), dtype=jnp.float32),
        "b": jax.random.normal(ks[4], (D,), dtype=jnp.float32),
        "t_mask_token": 0.02 * jax.random.truncated_normal(ks[5], -2.0, 2.0, (1, 1, 1, D), dtype=jnp.float32),
        "s_mask_token": 0.02 * jax.random.truncated_normal(ks[6], -2.0, 2.0, (1, 1, 1, D), dtype=jnp.float32),
    }


def _recover_mask(patches, mask_token, t_uti, t_mti, s_uti, s_mti):
    Bx, N_unmask, P_unmask, Dx = patches.shape
    P_total = t_uti.shape[0] + t_mti.shape[0]
    N_total = s_uti.shape[0] + s_mti.shape[0]
    # patches_temp1 = mask_token.repeat(B, N_unmask, P_total, 1); temp1[:, :, t_uti, :] = patches
    temp1 = jnp.tile(mask_token, (Bx, N_unmask, P_total, 1))
    temp1 = temp1.at[:, :, t_uti, :].set(patches)
    # patches_temp2 = mask_token.repeat(B, N_total, P_total, 1); temp2[:, s_uti, :] = temp1
    temp2 = jnp.tile(mask_token, (Bx, N_total, P_total, 1))
    temp2 = temp2.at[:, s_uti, :, :].set(temp1)
    return temp2


def reference(t_x, t_mti, t_uti, s_x, s_mti, s_uti, w_t, w_s, b, t_mask_token, s_mask_token):
    t_patches = _recover_mask(t_x, t_mask_token, t_uti, t_mti, s_uti, s_mti)
    s_patches = _recover_mask(s_x, s_mask_token, t_uti, t_mti, s_uti, s_mti)
    gate = jax.nn.sigmoid(jnp.matmul(t_patches, w_t) + jnp.matmul(s_patches, w_s) + b)
    full_patches = gate * t_patches + (1.0 - gate) * s_patches
    return full_patches

if __name__ == "__main__":
    import jax
    _d = setup_inputs()
    print(jax.jit(kernel)(*tuple(_d.values())))

</pallas_src>

<mosaic_0001>
#map = affine_map<(d0, d1) -> (0, 0, 0)>
#map1 = affine_map<(d0, d1) -> (0, 0, 0, 0)>
module attributes {stable_mosaic.version = 14 : i64} {
  func.func @_sc_fill_body(%arg0: i32, %arg1: i32, %arg2: memref<5x168x128xf32, #tpu.memory_space<hbm>>, %arg3: memref<4x300x168x128xf32, #tpu.memory_space<hbm>>, %arg4: memref<5x168x128xf32, #tpu.memory_space<vmem>>, %arg5: memref<!tpu.dma_semaphore, #tpu.memory_space<semaphore_mem>>) attributes {dimension_semantics = [#tpu.dimension_semantics<core_parallel>, #tpu.dimension_semantics<subcore_parallel>], iteration_bounds = array<i64: 2, 16>, scalar_prefetch = 0 : i64, scratch_operands = 2 : i64, tpu.core_type = #tpu.core_type<sc_vector_subcore>, window_params = [{transform_indices = #map}, {transform_indices = #map1}]} {
    %mul3A = arith.constant 2 : i32
    %mul3A_0 = arith.muli %arg1, %mul3A : i32
    %add3A = arith.addi %mul3A_0, %arg0 : i32
    "tpu.region"() ({
      %run_scoped3A = tpu.sem_alloc : memref<!tpu.dma_semaphore, #tpu.memory_space<semaphore_mem>>
      tpu.enqueue_dma source(%arg2 : memref<5x168x128xf32, #tpu.memory_space<hbm>>) target(%arg4 : memref<5x168x128xf32, #tpu.memory_space<vmem>>) target_semaphore(%run_scoped3A : memref<!tpu.dma_semaphore, #tpu.memory_space<semaphore_mem>>)
      tpu.wait_dma2 semaphore(%run_scoped3A : memref<!tpu.dma_semaphore, #tpu.memory_space<semaphore_mem>>) src(%arg2 : memref<5x168x128xf32, #tpu.memory_space<hbm>>) dst(%arg4 : memref<5x168x128xf32, #tpu.memory_space<vmem>>)
      tpu.yield
    }) : () -> ()
    %sub3A = arith.constant 180 : i32
    %sub3A_1 = arith.subi %sub3A, %add3A : i32
    %add3A_2 = arith.constant 32 : i32
    %add3A_3 = arith.addi %sub3A_1, %add3A_2 : i32
    %sub3A_4 = arith.constant 1 : i32
    %sub3A_5 = arith.subi %add3A_3, %sub3A_4 : i32
    %jit3A = arith.constant 32 : i32
    %div3A = arith.divsi %sub3A_5, %jit3A : i32
    %sign3A = arith.constant 0 : i32
    %sign3A_6 = arith.cmpi sgt, %sub3A_5, %sign3A : i32
    %sign3A_7 = arith.extui %sign3A_6 : i1 to i32
    %sign3A_8 = arith.constant 0 : i32
    %sign3A_9 = arith.cmpi slt, %sub3A_5, %sign3A_8 : i32
    %sign3A_10 = arith.extui %sign3A_9 : i1 to i32
    %sign3A_11 = arith.subi %sign3A_7, %sign3A_10 : i32
    %sign3A_12 = arith.constant 0 : i32
    %sign3A_13 = arith.cmpi sgt, %jit3A, %sign3A_12 : i32
    %sign3A_14 = arith.extui %sign3A_13 : i1 to i32
    %sign3A_15 = arith.constant 0 : i32
    %sign3A_16 = arith.cmpi slt, %jit3A, %sign3A_15 : i32
    %sign3A_17 = arith.extui %sign3A_16 : i1 to i32
    %sign3A_18 = arith.subi %sign3A_14, %sign3A_17 : i32
    %ne3A = arith.cmpi ne, %sign3A_11, %sign3A_18 : i32
    %rem3A = arith.remsi %sub3A_5, %jit3A : i32
    %ne3A_19 = arith.constant 0 : i32
    %ne3A_20 = arith.cmpi ne, %rem3A, %ne3A_19 : i32
    %and3A = arith.andi %ne3A, %ne3A_20 : i1
    %sub3A_21 = arith.constant 1 : i32
    %sub3A_22 = arith.subi %div3A, %sub3A_21 : i32
    %select_n3A = arith.select %and3A, %sub3A_22, %div3A : i32
    %while3A = arith.constant 0 : i32
    %while3A_23 = arith.constant 0 : i32
    %while3A_24 = arith.subi %select_n3A, %while3A_23 : i32
    %while3A_25 = arith.addi %while3A_23, %while3A_24 : i32
    %while3A_26 = arith.constant 1 : i32
    %while3A_27 = arith.divsi %while3A_24, %while3A_26 : i32
    %while3A_28 = arith.muli %while3A_27, %while3A_26 : i32
    %while3A_29 = arith.addi %while3A_23, %while3A_28 : i32
    %while3A_30 = arith.constant 1 : i32
    scf.for %while3A_42 = %while3A_23 to %while3A_29 step %while3A_30  : i32 {
      %mul3A_43 = arith.constant 32 : i32
      %mul3A_44 = arith.muli %while3A_42, %mul3A_43 : i32
      %add3A_45 = arith.addi %add3A, %mul3A_44 : i32
      %jit3A_46 = arith.constant 45 : i32
      %div3A_47 = arith.divsi %add3A_45, %jit3A_46 : i32
      %sign3A_48 = arith.constant 0 : i32
      %sign3A_49 = arith.cmpi sgt, %add3A_45, %sign3A_48 : i32
      %sign3A_50 = arith.extui %sign3A_49 : i1 to i32
      %sign3A_51 = arith.constant 0 : i32
      %sign3A_52 = arith.cmpi slt, %add3A_45, %sign3A_51 : i32
      %sign3A_53 = arith.extui %sign3A_52 : i1 to i32
      %sign3A_54 = arith.subi %sign3A_50, %sign3A_53 : i32
      %sign3A_55 = arith.constant 0 : i32
      %sign3A_56 = arith.cmpi sgt, %jit3A_46, %sign3A_55 : i32
      %sign3A_57 = arith.extui %sign3A_56 : i1 to i32
      %sign3A_58 = arith.constant 0 : i32
      %sign3A_59 = arith.cmpi slt, %jit3A_46, %sign3A_58 : i32
      %sign3A_60 = arith.extui %sign3A_59 : i1 to i32
      %sign3A_61 = arith.subi %sign3A_57, %sign3A_60 : i32
      %ne3A_62 = arith.cmpi ne, %sign3A_54, %sign3A_61 : i32
      %rem3A_63 = arith.remsi %add3A_45, %jit3A_46 : i32
      %ne3A_64 = arith.constant 0 : i32
      %ne3A_65 = arith.cmpi ne, %rem3A_63, %ne3A_64 : i32
      %and3A_66 = arith.andi %ne3A_62, %ne3A_65 : i1
      %sub3A_67 = arith.constant 1 : i32
      %sub3A_68 = arith.subi %div3A_47, %sub3A_67 : i32
      %select_n3A_69 = arith.select %and3A_66, %sub3A_68, %div3A_47 : i32
      %jit3A_70 = arith.constant 45 : i32
      %eq3A = arith.constant 0 : i32
      %eq3A_71 = arith.cmpi eq, %jit3A_70, %eq3A : i32
      %jit3A_72 = arith.constant 1 : i32
      %select_n3A_73 = arith.select %eq3A_71, %jit3A_72, %jit3A_70 : i32
      %rem3A_74 = arith.remsi %add3A_45, %select_n3A_73 : i32
      %ne3A_75 = arith.constant 0 : i32
      %ne3A_76 = arith.cmpi ne, %rem3A_74, %ne3A_75 : i32
      %lt3A = arith.constant 0 : i32
      %lt3A_77 = arith.cmpi slt, %rem3A_74, %lt3A : i32
      %lt3A_78 = arith.constant 0 : i32
      %lt3A_79 = arith.cmpi slt, %select_n3A_73, %lt3A_78 : i32
      %ne3A_80 = arith.xori %lt3A_77, %lt3A_79 : i1
      %and3A_81 = arith.andi %ne3A_80, %ne3A_76 : i1
      %add3A_82 = arith.addi %rem3A_74, %select_n3A_73 : i32
      %select_n3A_83 = arith.select %and3A_81, %add3A_82, %rem3A_74 : i32
      %mul3A_84 = arith.constant 5 : i32
      %mul3A_85 = arith.muli %select_n3A_83, %mul3A_84 : i32
      %add3A_86 = arith.constant 75 : i32
      %add3A_87 = arith.addi %add3A_86, %mul3A_85 : i32
      %dma_start3A = arith.constant 0 : i32
      %dma_start3A_88 = arith.constant 0 : i32
      %dma_start3A_89 = tpu.memref_slice %arg3[%select_n3A_69, %add3A_87, %dma_start3A, %dma_start3A_88] : memref<4x300x168x128xf32, #tpu.memory_space<hbm>> -> memref<1x5x168x128xf32, #tpu.memory_space<hbm>>
      %dma_start3A_90 = tpu.memref_squeeze %dma_start3A_89 : memref<1x5x168x128xf32, #tpu.memory_space<hbm>> -> memref<5x168x128xf32, #tpu.memory_space<hbm>>
      %dma_start3A_91 = arith.constant 0 : i32
      %dma_start3A_92 = arith.constant 0 : i32
      %dma_start3A_93 = tpu.memref_slice %arg3[%select_n3A_69, %add3A_87, %dma_start3A_91, %dma_start3A_92] : memref<4x300x168x128xf32, #tpu.memory_space<hbm>> -> memref<1x5x168x128xf32, #tpu.memory_space<hbm>>
      %dma_start3A_94 = tpu.memref_squeeze %dma_start3A_93 : memref<1x5x168x128xf32, #tpu.memory_space<hbm>> -> memref<5x168x128xf32, #tpu.memory_space<hbm>>
      tpu.enqueue_dma source(%arg4 : memref<5x168x128xf32, #tpu.memory_space<vmem>>) target(%dma_start3A_94 : memref<5x168x128xf32, #tpu.memory_space<hbm>>) target_semaphore(%arg5 : memref<!tpu.dma_semaphore, #tpu.memory_space<semaphore_mem>>)
    }
    %while3A_31 = arith.constant 1 : i32
    scf.for %while3A_42 = %while3A_29 to %while3A_25 step %while3A_31  : i32 {
      %mul3A_43 = arith.constant 32 : i32
      %mul3A_44 = arith.muli %while3A_42, %mul3A_43 : i32
      %add3A_45 = arith.addi %add3A, %mul3A_44 : i32
      %jit3A_46 = arith.constant 45 : i32
      %div3A_47 = arith.divsi %add3A_45, %jit3A_46 : i32
      %sign3A_48 = arith.constant 0 : i32
      %sign3A_49 = arith.cmpi sgt, %add3A_45, %sign3A_48 : i32
      %sign3A_50 = arith.extui %sign3A_49 : i1 to i32
      %sign3A_51 = arith.constant 0 : i32
      %sign3A_52 = arith.cmpi slt, %add3A_45, %sign3A_51 : i32
      %sign3A_53 = arith.extui %sign3A_52 : i1 to i32
      %sign3A_54 = arith.subi %sign3A_50, %sign3A_53 : i32
      %sign3A_55 = arith.constant 0 : i32
      %sign3A_56 = arith.cmpi sgt, %jit3A_46, %sign3A_55 : i32
      %sign3A_57 = arith.extui %sign3A_56 : i1 to i32
      %sign3A_58 = arith.constant 0 : i32
      %sign3A_59 = arith.cmpi slt, %jit3A_46, %sign3A_58 : i32
      %sign3A_60 = arith.extui %sign3A_59 : i1 to i32
      %sign3A_61 = arith.subi %sign3A_57, %sign3A_60 : i32
      %ne3A_62 = arith.cmpi ne, %sign3A_54, %sign3A_61 : i32
      %rem3A_63 = arith.remsi %add3A_45, %jit3A_46 : i32
      %ne3A_64 = arith.constant 0 : i32
      %ne3A_65 = arith.cmpi ne, %rem3A_63, %ne3A_64 : i32
      %and3A_66 = arith.andi %ne3A_62, %ne3A_65 : i1
      %sub3A_67 = arith.constant 1 : i32
      %sub3A_68 = arith.subi %div3A_47, %sub3A_67 : i32
      %select_n3A_69 = arith.select %and3A_66, %sub3A_68, %div3A_47 : i32
      %jit3A_70 = arith.constant 45 : i32
      %eq3A = arith.constant 0 : i32
      %eq3A_71 = arith.cmpi eq, %jit3A_70, %eq3A : i32
      %jit3A_72 = arith.constant 1 : i32
      %select_n3A_73 = arith.select %eq3A_71, %jit3A_72, %jit3A_70 : i32
      %rem3A_74 = arith.remsi %add3A_45, %select_n3A_73 : i32
      %ne3A_75 = arith.constant 0 : i32
      %ne3A_76 = arith.cmpi ne, %rem3A_74, %ne3A_75 : i32
      %lt3A = arith.constant 0 : i32
      %lt3A_77 = arith.cmpi slt, %rem3A_74, %lt3A : i32
      %lt3A_78 = arith.constant 0 : i32
      %lt3A_79 = arith.cmpi slt, %select_n3A_73, %lt3A_78 : i32
      %ne3A_80 = arith.xori %lt3A_77, %lt3A_79 : i1
      %and3A_81 = arith.andi %ne3A_80, %ne3A_76 : i1
      %add3A_82 = arith.addi %rem3A_74, %select_n3A_73 : i32
      %select_n3A_83 = arith.select %and3A_81, %add3A_82, %rem3A_74 : i32
      %mul3A_84 = arith.constant 5 : i32
      %mul3A_85 = arith.muli %select_n3A_83, %mul3A_84 : i32
      %add3A_86 = arith.constant 75 : i32
      %add3A_87 = arith.addi %add3A_86, %mul3A_85 : i32
      %dma_start3A = arith.constant 0 : i32
      %dma_start3A_88 = arith.constant 0 : i32
      %dma_start3A_89 = tpu.memref_slice %arg3[%select_n3A_69, %add3A_87, %dma_start3A, %dma_start3A_88] : memref<4x300x168x128xf32, #tpu.memory_space<hbm>> -> memref<1x5x168x128xf32, #tpu.memory_space<hbm>>
      %dma_start3A_90 = tpu.memref_squeeze %dma_start3A_89 : memref<1x5x168x128xf32, #tpu.memory_space<hbm>> -> memref<5x168x128xf32, #tpu.memory_space<hbm>>
      %dma_start3A_91 = arith.constant 0 : i32
      %dma_start3A_92 = arith.constant 0 : i32
      %dma_start3A_93 = tpu.memref_slice %arg3[%select_n3A_69, %add3A_87, %dma_start3A_91, %dma_start3A_92] : memref<4x300x168x128xf32, #tpu.memory_space<hbm>> -> memref<1x5x168x128xf32, #tpu.memory_space<hbm>>
      %dma_start3A_94 = tpu.memref_squeeze %dma_start3A_93 : memref<1x5x168x128xf32, #tpu.memory_space<hbm>> -> memref<5x168x128xf32, #tpu.memory_space<hbm>>
      tpu.enqueue_dma source(%arg4 : memref<5x168x128xf32, #tpu.memory_space<vmem>>) target(%dma_start3A_94 : memref<5x168x128xf32, #tpu.memory_space<hbm>>) target_semaphore(%arg5 : memref<!tpu.dma_semaphore, #tpu.memory_space<semaphore_mem>>)
    }
    %while3A_32 = arith.constant 0 : i32
    %while3A_33 = arith.constant 0 : i32
    %while3A_34 = arith.subi %select_n3A, %while3A_33 : i32
    %while3A_35 = arith.addi %while3A_33, %while3A_34 : i32
    %while3A_36 = arith.constant 1 : i32
    %while3A_37 = arith.divsi %while3A_34, %while3A_36 : i32
    %while3A_38 = arith.muli %while3A_37, %while3A_36 : i32
    %while3A_39 = arith.addi %while3A_33, %while3A_38 : i32
    %while3A_40 = arith.constant 1 : i32
    scf.for %while3A_42 = %while3A_33 to %while3A_39 step %while3A_40  : i32 {
      %dma_wait3A = arith.constant 0 : i32
      %dma_wait3A_43 = arith.constant 75 : i32
      %dma_wait3A_44 = arith.constant 0 : i32
      %dma_wait3A_45 = arith.constant 0 : i32
      %dma_wait3A_46 = tpu.memref_slice %arg3[%dma_wait3A, %dma_wait3A_43, %dma_wait3A_44, %dma_wait3A_45] : memref<4x300x168x128xf32, #tpu.memory_space<hbm>> -> memref<1x5x168x128xf32, #tpu.memory_space<hbm>>
      %dma_wait3A_47 = tpu.memref_squeeze %dma_wait3A_46 : memref<1x5x168x128xf32, #tpu.memory_space<hbm>> -> memref<5x168x128xf32, #tpu.memory_space<hbm>>
      %dma_wait3A_48 = arith.constant 75 : i32
      %dma_wait3A_49 = arith.constant 0 : i32
      %dma_wait3A_50 = arith.constant 0 : i32
      %dma_wait3A_51 = tpu.memref_slice %arg3[%dma_wait3A, %dma_wait3A_48, %dma_wait3A_49, %dma_wait3A_50] : memref<4x300x168x128xf32, #tpu.memory_space<hbm>> -> memref<1x5x168x128xf32, #tpu.memory_space<hbm>>
      %dma_wait3A_52 = tpu.memref_squeeze %dma_wait3A_51 : memref<1x5x168x128xf32, #tpu.memory_space<hbm>> -> memref<5x168x128xf32, #tpu.memory_space<hbm>>
      tpu.wait_dma2 semaphore(%arg5 : memref<!tpu.dma_semaphore, #tpu.memory_space<semaphore_mem>>) src(%arg4 : memref<5x168x128xf32, #tpu.memory_space<vmem>>) dst(%dma_wait3A_52 : memref<5x168x128xf32, #tpu.memory_space<hbm>>)
    }
    %while3A_41 = arith.constant 1 : i32
    scf.for %while3A_42 = %while3A_39 to %while3A_35 step %while3A_41  : i32 {
      %dma_wait3A = arith.constant 0 : i32
      %dma_wait3A_43 = arith.constant 75 : i32
      %dma_wait3A_44 = arith.constant 0 : i32
      %dma_wait3A_45 = arith.constant 0 : i32
      %dma_wait3A_46 = tpu.memref_slice %arg3[%dma_wait3A, %dma_wait3A_43, %dma_wait3A_44, %dma_wait3A_45] : memref<4x300x168x128xf32, #tpu.memory_space<hbm>> -> memref<1x5x168x128xf32, #tpu.memory_space<hbm>>
      %dma_wait3A_47 = tpu.memref_squeeze %dma_wait3A_46 : memref<1x5x168x128xf32, #tpu.memory_space<hbm>> -> memref<5x168x128xf32, #tpu.memory_space<hbm>>
      %dma_wait3A_48 = arith.constant 75 : i32
      %dma_wait3A_49 = arith.constant 0 : i32
      %dma_wait3A_50 = arith.constant 0 : i32
      %dma_wait3A_51 = tpu.memref_slice %arg3[%dma_wait3A, %dma_wait3A_48, %dma_wait3A_49, %dma_wait3A_50] : memref<4x300x168x128xf32, #tpu.memory_space<hbm>> -> memref<1x5x168x128xf32, #tpu.memory_space<hbm>>
      %dma_wait3A_52 = tpu.memref_squeeze %dma_wait3A_51 : memref<1x5x168x128xf32, #tpu.memory_space<hbm>> -> memref<5x168x128xf32, #tpu.memory_space<hbm>>
      tpu.wait_dma2 semaphore(%arg5 : memref<!tpu.dma_semaphore, #tpu.memory_space<semaphore_mem>>) src(%arg4 : memref<5x168x128xf32, #tpu.memory_space<vmem>>) dst(%dma_wait3A_52 : memref<5x168x128xf32, #tpu.memory_space<hbm>>)
    }
    return
  }
}

module attributes {stable_mosaic.version = 14 : i64} {
  func.func @_const_vec_body(%arg0: memref<128x128xf32, #tpu.memory_space<vmem>>, %arg1: memref<128x128xf32, #tpu.memory_space<vmem>>, %arg2: memref<1x128xf32, #tpu.memory_space<vmem>>, %arg3: memref<1x128xf32, #tpu.memory_space<vmem>>, %arg4: memref<1x128xf32, #tpu.memory_space<vmem>>, %arg5: memref<1x128xf32, #tpu.memory_space<vmem>>, %arg6: memref<5x168x128xf32, #tpu.memory_space<vmem>>) attributes {dimension_semantics = [], scalar_prefetch = 0 : i64, scratch_operands = 0 : i64, tpu.core_type = #tpu.core_type<tc>} {
    %get3A = arith.constant 0 : index
    %get3A_0 = arith.constant 0 : index
    %get3A_1 = vector.load %arg3[%get3A, %get3A_0] : memref<1x128xf32, #tpu.memory_space<vmem>>, vector<1x128xf32>
    %get3A_2 = arith.constant 0 : index
    %get3A_3 = arith.constant 0 : index
    %get3A_4 = vector.load %arg4[%get3A_2, %get3A_3] : memref<1x128xf32, #tpu.memory_space<vmem>>, vector<1x128xf32>
    %get3A_5 = arith.constant 0 : index
    %get3A_6 = arith.constant 0 : index
    %get3A_7 = vector.load %arg0[%get3A_5, %get3A_6] : memref<128x128xf32, #tpu.memory_space<vmem>>, vector<128x128xf32>
    %dot_general3A = arith.constant dense<0.000000e+00> : vector<1x128xf32>
    %dot_general3A_8 = tpu.matmul %get3A_1, %get3A_7, %dot_general3A {dimension_numbers = #tpu.dot_dimension_numbers<[1], [0], [0], [1], [0, 0, 1, 1], [], []>, transpose_lhs_hint = false} : vector<1x128xf32>, vector<128x128xf32>, vector<1x128xf32> -> vector<1x128xf32>
    %get3A_9 = arith.constant 0 : index
    %get3A_10 = arith.constant 0 : index
    %get3A_11 = vector.load %arg1[%get3A_9, %get3A_10] : memref<128x128xf32, #tpu.memory_space<vmem>>, vector<128x128xf32>
    %dot_general3A_12 = arith.constant dense<0.000000e+00> : vector<1x128xf32>
    %dot_general3A_13 = tpu.matmul %get3A_4, %get3A_11, %dot_general3A_12 {dimension_numbers = #tpu.dot_dimension_numbers<[1], [0], [0], [1], [0, 0, 1, 1], [], []>, transpose_lhs_hint = false} : vector<1x128xf32>, vector<128x128xf32>, vector<1x128xf32> -> vector<1x128xf32>
    %add3A = arith.addf %dot_general3A_8, %dot_general3A_13 : vector<1x128xf32>
    %get3A_14 = arith.constant 0 : index
    %get3A_15 = arith.constant 0 : index
    %get3A_16 = vector.load %arg2[%get3A_14, %get3A_15] : memref<1x128xf32, #tpu.memory_space<vmem>>, vector<1x128xf32>
    %add3A_17 = arith.addf %add3A, %get3A_16 : vector<1x128xf32>
    %logistic3A = arith.negf %add3A_17 : vector<1x128xf32>
    %logistic3A_18 = math.exp %logistic3A : vector<1x128xf32>
    %logistic3A_19 = arith.constant 1.000000e+00 : f32
    %logistic3A_20 = vector.broadcast %logistic3A_19 : f32 to vector<1x128xf32>
    %logistic3A_21 = arith.addf %logistic3A_20, %logistic3A_18 : vector<1x128xf32>
    %logistic3A_22 = arith.divf %logistic3A_20, %logistic3A_21 : vector<1x128xf32>
    %mul3A = arith.mulf %logistic3A_22, %get3A_1 : vector<1x128xf32>
    %sub3A = arith.constant 1.000000e+00 : f32
    %sub3A_23 = vector.broadcast %sub3A : f32 to vector<1x128xf32>
    %sub3A_24 = arith.subf %sub3A_23, %logistic3A_22 : vector<1x128xf32>
    %mul3A_25 = arith.mulf %sub3A_24, %get3A_4 : vector<1x128xf32>
    %add3A_26 = arith.addf %mul3A, %mul3A_25 : vector<1x128xf32>
    %swap3A = arith.constant 0 : index
    %swap3A_27 = arith.constant 0 : index
    %swap3A_28 = vector.load %arg5[%swap3A, %swap3A_27] : memref<1x128xf32, #tpu.memory_space<vmem>>, vector<1x128xf32>
    tpu.vector_store %arg5[%swap3A, %swap3A_27], %add3A_26 {strides = array<i32>} : memref<1x128xf32, #tpu.memory_space<vmem>>, vector<1x128xf32>,
    %reshape3A = vector.shape_cast %add3A_26 : vector<1x128xf32> to vector<1x1x128xf32>
    %broadcast_in_dim3A = vector.shape_cast %reshape3A : vector<1x1x128xf32> to vector<1x1x128xf32>
    %broadcast_in_dim3A_29 = vector.broadcast %broadcast_in_dim3A : vector<1x1x128xf32> to vector<5x168x128xf32>
    %swap3A_30 = arith.constant 0 : index
    %swap3A_31 = arith.constant 0 : index
    %swap3A_32 = arith.constant 0 : index
    %swap3A_33 = vector.load %arg6[%swap3A_30, %swap3A_31, %swap3A_32] : memref<5x168x128xf32, #tpu.memory_space<vmem>>, vector<5x168x128xf32>
    tpu.vector_store %arg6[%swap3A_30, %swap3A_31, %swap3A_32], %broadcast_in_dim3A_29 {strides = array<i32>} : memref<5x168x128xf32, #tpu.memory_space<vmem>>, vector<5x168x128xf32>,
    return
  }
}

module attributes {stable_mosaic.version = 14 : i64} {
  func.func @_data_body(%arg0: i32, %arg1: memref<1x75x42x128xf32, #tpu.memory_space<vmem>>, %arg2: memref<1x75x42x128xf32, #tpu.memory_space<vmem>>, %arg3: memref<128x128xf32, #tpu.memory_space<vmem>>, %arg4: memref<128x128xf32, #tpu.memory_space<vmem>>, %arg5: memref<1x128xf32, #tpu.memory_space<vmem>>, %arg6: memref<1x128xf32, #tpu.memory_space<vmem>>, %arg7: memref<4x300x168x128xf32, #tpu.memory_space<any>>, %arg8: memref<1x75x168x128xf32, #tpu.memory_space<vmem>>) attributes {dimension_semantics = [#tpu.dimension_semantics<arbitrary>], iteration_bounds = array<i64: 4>, scalar_prefetch = 0 : i64, scratch_operands = 0 : i64, tpu.core_type = #tpu.core_type<tc>, window_params = [{transform_indices = @transform_0, window_bounds = array<i64: 1, 75, 42, 128>}, {transform_indices = @transform_1, window_bounds = array<i64: 1, 75, 42, 128>}, {pipeline_mode = #tpu.pipeline_mode<synchronous>, transform_indices = @transform_2, window_bounds = array<i64: 128, 128>}, {pipeline_mode = #tpu.pipeline_mode<synchronous>, transform_indices = @transform_3, window_bounds = array<i64: 128, 128>}, {pipeline_mode = #tpu.pipeline_mode<synchronous>, transform_indices = @transform_4, window_bounds = array<i64: 1, 128>}, {pipeline_mode = #tpu.pipeline_mode<synchronous>, transform_indices = @transform_5, window_bounds = array<i64: 1, 128>}, {}, {transform_indices = @transform_7, window_bounds = array<i64: 1, 75, 168, 128>}]} {
    %get3A = arith.constant 0 : index
    %get3A_0 = arith.constant 0 : index
    %get3A_1 = arith.constant 0 : index
    %get3A_2 = arith.constant 0 : index
    %get3A_3 = vector.load %arg1[%get3A, %get3A_0, %get3A_1, %get3A_2] : memref<1x75x42x128xf32, #tpu.memory_space<vmem>>, vector<1x75x42x128xf32>
    %get3A_4 = vector.shape_cast %get3A_3 : vector<1x75x42x128xf32> to vector<75x42x128xf32>
    %reshape3A = vector.shape_cast %get3A_4 : vector<75x42x128xf32> to vector<3150x128xf32>
    %get3A_5 = arith.constant 0 : index
    %get3A_6 = arith.constant 0 : index
    %get3A_7 = arith.constant 0 : index
    %get3A_8 = arith.constant 0 : index
    %get3A_9 = vector.load %arg2[%get3A_5, %get3A_6, %get3A_7, %get3A_8] : memref<1x75x42x128xf32, #tpu.memory_space<vmem>>, vector<1x75x42x128xf32>
    %get3A_10 = vector.shape_cast %get3A_9 : vector<1x75x42x128xf32> to vector<75x42x128xf32>
    %reshape3A_11 = vector.shape_cast %get3A_10 : vector<75x42x128xf32> to vector<3150x128xf32>
    %get3A_12 = arith.constant 0 : index
    %get3A_13 = arith.constant 0 : index
    %get3A_14 = vector.load %arg3[%get3A_12, %get3A_13] : memref<128x128xf32, #tpu.memory_space<vmem>>, vector<128x128xf32>
    %dot_general3A = arith.constant dense<0.000000e+00> : vector<3150x128xf32>
    %dot_general3A_15 = tpu.matmul %reshape3A, %get3A_14, %dot_general3A {dimension_numbers = #tpu.dot_dimension_numbers<[1], [0], [0], [1], [0, 0, 1, 1], [], []>, transpose_lhs_hint = false} : vector<3150x128xf32>, vector<128x128xf32>, vector<3150x128xf32> -> vector<3150x128xf32>
    %get3A_16 = arith.constant 0 : index
    %get3A_17 = arith.constant 0 : index
    %get3A_18 = vector.load %arg4[%get3A_16, %get3A_17] : memref<128x128xf32, #tpu.memory_space<vmem>>, vector<128x128xf32>
    %dot_general3A_19 = arith.constant dense<0.000000e+00> : vector<3150x128xf32>
    %dot_general3A_20 = tpu.matmul %reshape3A_11, %get3A_18, %dot_general3A_19 {dimension_numbers = #tpu.dot_dimension_numbers<[1], [0], [0], [1], [0, 0, 1, 1], [], []>, transpose_lhs_hint = false} : vector<3150x128xf32>, vector<128x128xf32>, vector<3150x128xf32> -> vector<3150x128xf32>
    %add3A = arith.addf %dot_general3A_15, %dot_general3A_20 : vector<3150x128xf32>
    %get3A_21 = arith.constant 0 : index
    %get3A_22 = arith.constant 0 : index
    %get3A_23 = vector.load %arg5[%get3A_21, %get3A_22] : memref<1x128xf32, #tpu.memory_space<vmem>>, vector<1x128xf32>
    %add3A_24 = vector.broadcast %get3A_23 : vector<1x128xf32> to vector<3150x128xf32>
    %add3A_25 = arith.addf %add3A, %add3A_24 : vector<3150x128xf32>
    %logistic3A = arith.negf %add3A_25 : vector<3150x128xf32>
    %logistic3A_26 = math.exp %logistic3A : vector<3150x128xf32>
    %logistic3A_27 = arith.constant 1.000000e+00 : f32
    %logistic3A_28 = vector.broadcast %logistic3A_27 : f32 to vector<3150x128xf32>
    %logistic3A_29 = arith.addf %logistic3A_28, %logistic3A_26 : vector<3150x128xf32>
    %logistic3A_30 = arith.divf %logistic3A_28, %logistic3A_29 : vector<3150x128xf32>
    %mul3A = arith.mulf %logistic3A_30, %reshape3A : vector<3150x128xf32>
    %sub3A = arith.constant 1.000000e+00 : f32
    %sub3A_31 = vector.broadcast %sub3A : f32 to vector<3150x128xf32>
    %sub3A_32 = arith.subf %sub3A_31, %logistic3A_30 : vector<3150x128xf32>
    %mul3A_33 = arith.mulf %sub3A_32, %reshape3A_11 : vector<3150x128xf32>
    %add3A_34 = arith.addf %mul3A, %mul3A_33 : vector<3150x128xf32>
    %reshape3A_35 = vector.shape_cast %add3A_34 : vector<3150x128xf32> to vector<75x42x128xf32>
    %swap3A = arith.constant 0 : index
    %swap3A_36 = arith.constant 0 : index
    %swap3A_37 = arith.constant 0 : index
    %swap3A_38 = arith.constant 0 : index
    %swap3A_39 = vector.load %arg8[%swap3A, %swap3A_36, %swap3A_37, %swap3A_38] : memref<1x75x168x128xf32, #tpu.memory_space<vmem>>, vector<1x75x42x128xf32>
    %swap3A_40 = vector.shape_cast %swap3A_39 : vector<1x75x42x128xf32> to vector<75x42x128xf32>
    %swap3A_41 = vector.shape_cast %reshape3A_35 : vector<75x42x128xf32> to vector<1x75x42x128xf32>
    tpu.vector_store %arg8[%swap3A, %swap3A_36, %swap3A_37, %swap3A_38], %swap3A_41 {strides = array<i32>} : memref<1x75x168x128xf32, #tpu.memory_space<vmem>>, vector<1x75x42x128xf32>,
    %get3A_42 = arith.constant 0 : index
    %get3A_43 = arith.constant 0 : index
    %get3A_44 = vector.load %arg6[%get3A_42, %get3A_43] : memref<1x128xf32, #tpu.memory_space<vmem>>, vector<1x128xf32>
    %reshape3A_45 = vector.shape_cast %get3A_44 : vector<1x128xf32> to vector<1x1x128xf32>
    %broadcast_in_dim3A = vector.shape_cast %reshape3A_45 : vector<1x1x128xf32> to vector<1x1x128xf32>
    %broadcast_in_dim3A_46 = vector.broadcast %broadcast_in_dim3A : vector<1x1x128xf32> to vector<75x126x128xf32>
    %swap3A_47 = arith.constant 0 : index
    %swap3A_48 = arith.constant 0 : index
    %swap3A_49 = arith.constant 42 : index
    %swap3A_50 = arith.constant 0 : index
    %swap3A_51 = vector.load %arg8[%swap3A_47, %swap3A_48, %swap3A_49, %swap3A_50] : memref<1x75x168x128xf32, #tpu.memory_space<vmem>>, vector<1x75x126x128xf32>
    %swap3A_52 = vector.shape_cast %swap3A_51 : vector<1x75x126x128xf32> to vector<75x126x128xf32>
    %swap3A_53 = vector.shape_cast %broadcast_in_dim3A_46 : vector<75x126x128xf32> to vector<1x75x126x128xf32>
    tpu.vector_store %arg8[%swap3A_47, %swap3A_48, %swap3A_49, %swap3A_50], %swap3A_53 {strides = array<i32>} : memref<1x75x168x128xf32, #tpu.memory_space<vmem>>, vector<1x75x126x128xf32>,
    return
  }
  func.func @transform_0(%arg0: i32) -> (i32, i32, i32, i32) {
    %c0_i32 = arith.constant 0 : i32
    %c0_i32_0 = arith.constant 0 : i32
    %c0_i32_1 = arith.constant 0 : i32
    %c0_i32_2 = arith.constant 0 : i32
    return %arg0, %c0_i32, %c0_i32_0, %c0_i32_1 : i32, i32, i32, i32
  }
  func.func @transform_1(%arg0: i32) -> (i32, i32, i32, i32) {
    %c0_i32 = arith.constant 0 : i32
    %c0_i32_0 = arith.constant 0 : i32
    %c0_i32_1 = arith.constant 0 : i32
    %c0_i32_2 = arith.constant 0 : i32
    return %arg0, %c0_i32, %c0_i32_0, %c0_i32_1 : i32, i32, i32, i32
  }
  func.func @transform_2(%arg0: i32) -> (i32, i32) {
    %c0_i32 = arith.constant 0 : i32
    %c0_i32_0 = arith.constant 0 : i32
    %c0_i32_1 = arith.constant 0 : i32
    return %c0_i32, %c0_i32_0 : i32, i32
  }
  func.func @transform_3(%arg0: i32) -> (i32, i32) {
    %c0_i32 = arith.constant 0 : i32
    %c0_i32_0 = arith.constant 0 : i32
    %c0_i32_1 = arith.constant 0 : i32
    return %c0_i32, %c0_i32_0 : i32, i32
  }
  func.func @transform_4(%arg0: i32) -> (i32, i32) {
    %c0_i32 = arith.constant 0 : i32
    %c0_i32_0 = arith.constant 0 : i32
    %c0_i32_1 = arith.constant 0 : i32
    return %c0_i32, %c0_i32_0 : i32, i32
  }
  func.func @transform_5(%arg0: i32) -> (i32, i32) {
    %c0_i32 = arith.constant 0 : i32
    %c0_i32_0 = arith.constant 0 : i32
    %c0_i32_1 = arith.constant 0 : i32
    return %c0_i32, %c0_i32_0 : i32, i32
  }
  func.func @transform_7(%arg0: i32) -> (i32, i32, i32, i32) {
    %c0_i32 = arith.constant 0 : i32
    %c0_i32_0 = arith.constant 0 : i32
    %c0_i32_1 = arith.constant 0 : i32
    %c0_i32_2 = arith.constant 0 : i32
    return %arg0, %c0_i32, %c0_i32_0, %c0_i32_1 : i32, i32, i32, i32
  }
}

</mosaic_0001>

<sc_bundles>
// kernel: kernel.5.cloned.1.call-start
scs
__scs_entry_jumppad:
0x0: {  	(pc) =	sbr.rel $0x88, $3  }
0x1: {  	(tag) =	ssettag $0x0;
	lr =	simm.s32 $0x1  }
0x2: {  	[smem:$0x3F9A] =	sst lr;
	_ =	strace $0xD0000000  }
0x3: {  	_ = 	snop  }
0x4: {  	_ = 	snop  }
0x5: {  	_ = 	snop  }
0x6: {  	_ = 	snop  }
0x7: {  	_ = 	snop  }
__scs_overlays_trampoline_lowered:
0x8: {  	[smem:$0x3FA9] =	sst s0  }
0x9: {  	[smem:$0x3FAA] =	sst s1  }
0xa: {  	[smem:$0x3FAB] =	sst s2  }
0xb: {  	[smem:$0x3FAC] =	sst s3  }
0xc: {  	[smem:$0x3FAD] =	sst s4  }
0xd: {  	[smem:$0x3FAE] =	sst s5  }
0xe: {  	[smem:$0x3FAF] =	sst s6  }
0xf: {  	[smem:$0x3FB0] =	sst s7  }
0x10: {  	[smem:$0x3FB1] =	sst s8  }
0x11: {  	[smem:$0x3FB2] =	sst s9;
	s0 =	simm.s32 @!p0 $0x0  }
0x12: {  	s1 =	sld [smem:$0x3F98];
	s0 =	simm.s32 @p0 $0x1  }
0x13: {  	[smem:$0x3FB3] =	sst s0;
	s0 =	simm.s32 @!p1 $0x0  }
0x14: {  	s2 =	sld [smem:$0x3F97];
	s0 =	simm.s32 @p1 $0x1  }
0x15: {  	[smem:$0x3FB4] =	sst s0;
	s0 =	simm.s32 @!p2 $0x0  }
0x16: {  	s3 =	sld [smem:$0x3FDB];
	s0 =	simm.s32 @p2 $0x1  }
0x17: {  	s4 =	simm.s32 $0x1BF5;
	[smem:$0x3FB6] =	sst s0  }
0x18: {  	s0 =	sld [smem:$0x3F99];
	_ =	swait.ge [sflag:s4], $0x0  }
0x19: {  	s7 =	sld [smem:$0x3F9A]  }
0x1a: {  	s8 =	sadd.s32 $0xFFFFE003, lr  }
0x1b: {  	s9 =	sadd.s32 $0xFFFFFEF7, lr;
	s5 =	simm.s32 $0xFFFFFFFF;
	p2 =	slt.u32 s8, $0xFFFFF086  }
0x1c: {  	p1 =	slt.u32 s9, $0xF7A;
	s5 =	simm.s32 @!p2 $0x0  }
0x1d: {  	s5 =	simm.s32 @p1 $0x1;
	p0 =	seq.s32 s7, s2  }
0x1e: {  	s7 =	smul.u32 @!p0 $0xF7A, s2;
	p2 =	seq.s32 @!p0 s5, $0x0  }
0x1f: {  	s9 =	smul.u32 $0xF7A, s1;
	s8 =	simm.s32 @!p0 $0x1BF5;
	p2 =	por !p2, p0  }
0x20: {  	[sflag:s8] =	ssyncset.s32 @!p0 $0xFFFFF086;
	s6 =	sadd.s32 @!p0 s3, s7;
	s7 =	simm.s32 @!p0 $0x108  }
0x21: {  	s3 =	sadd.s32 s3, s9;
	s6 =	sadd.s32 @!p0 $0x88, s6;
	s7 =	simm.s32 @p2 $0x1082  }
0x22: {  	[simem:s7], [sflag:s8] =	dma.local @!p0 [hbm:s6], $0xF7A  }
0x23: {  	s9 =	sor.u32 $0xD0000000, s2;
	s6 =	simm.s32 $0x108;
	_ =	swait.ge @!p0 [sflag:s8], $0x0  }
0x24: {  	s3 =	sadd.s32 $0x88, s3;
	s6 =	simm.s32 @!p1 $0x1082;
	[sflag:s4] =	ssyncset.s32 $0xFFFFF086  }
0x25: {  	[simem:s6], [sflag:s4] =	dma.local [hbm:s3], $0xF7A  }
0x26: {  	[smem:$0x3F9A] =	sst s1;
	(tag) =	ssettag s2;
	_ =	strace s9  }
0x27: {  	s1 =	sld [smem:$0x3FAA]  }
0x28: {  	s2 =	sld [smem:$0x3FAB]  }
0x29: {  	s4 =	sld [smem:$0x3FAD]  }
0x2a: {  	p0 =	seq.s32 s5, $0x0;
	s5 =	sld [smem:$0x3FAE]  }
0x2b: {  	s6 =	sld [smem:$0x3FAF]  }
0x2c: {  	s7 =	sld [smem:$0x3FB0]  }
0x2d: {  	s3 =	simm.s32 $0x108;
	s8 =	sld [smem:$0x3FB1]  }
0x2e: {  	s3 =	simm.s32 @!p0 $0x1082;
	s9 =	sld [smem:$0x3FB2]  }
0x2f: {  	lr =	sadd.s32 s0, s3;
	s0 =	sld [smem:$0x3FA9]  }
0x30: {  	s3 =	sld [smem:$0x3FAC]  }
0x31: {  	[smem:$0x3FB5] =	sst s10  }
0x32: {  	s10 =	sld [smem:$0x3FB3];
	_ =	sdelay $0x3  }
0x33: {  	p0 =	seq.s32 s10, $0x1;
	s10 =	sld [smem:$0x3FB5];
	_ =	sdelay $0x3  }
0x34: {  	[smem:$0x3FB5] =	sst s10  }
0x35: {  	s10 =	sld [smem:$0x3FB4];
	_ =	sdelay $0x3  }
0x36: {  	p1 =	seq.s32 s10, $0x1;
	s10 =	sld [smem:$0x3FB5];
	_ =	sdelay $0x3  }
0x37: {  	[smem:$0x3FB5] =	sst s10  }
0x38: {  	s10 =	sld [smem:$0x3FB6]  }
0x39: {  	_ = 	snop;
	(pc) =	sbr.ind lr, $3  }
0x3a: {  	_ = 	snop  }
0x3b: {  	_ = 	snop  }
0x3c: {  	p2 =	seq.s32 s10, $0x1;
	s10 =	sld [smem:$0x3FB5]  }
0x3d: {  	_ =	shalt  }
0x3e: {  	_ =	shalt  }
0x3f: {  	_ =	shalt  }
0x40: {  	_ =	shalt  }
0x41: {  	_ =	shalt  }
0x42: {  	_ =	shalt  }
0x43: {  	_ =	shalt  }
0x44: {  	_ =	shalt  }
0x45: {  	_ =	shalt  }
0x46: {  	_ =	shalt  }
0x47: {  	_ =	shalt  }
0x48: {  	_ =	shalt  }
0x49: {  	_ =	shalt  }
0x4a: {  	_ =	shalt  }
0x4b: {  	_ =	shalt  }
0x4c: {  	_ =	shalt  }
0x4d: {  	_ =	shalt  }
0x4e: {  	_ =	shalt  }
0x4f: {  	_ =	shalt  }
0x50: {  	_ =	shalt  }
0x51: {  	_ =	shalt  }
0x52: {  	_ =	shalt  }
0x53: {  	_ =	shalt  }
0x54: {  	_ =	shalt  }
0x55: {  	_ =	shalt  }
0x56: {  	_ =	shalt  }
0x57: {  	_ =	shalt  }
0x58: {  	_ =	shalt  }
0x59: {  	_ =	shalt  }
0x5a: {  	_ =	shalt  }
0x5b: {  	_ =	shalt  }
0x5c: {  	_ =	shalt  }
0x5d: {  	_ =	shalt  }
0x5e: {  	_ =	shalt  }
0x5f: {  	_ =	shalt  }
0x60: {  	_ =	shalt  }
0x61: {  	_ =	shalt  }
0x62: {  	_ =	shalt  }
0x63: {  	_ =	shalt  }
0x64: {  	_ =	shalt  }
0x65: {  	_ =	shalt  }
0x66: {  	_ =	shalt  }
0x67: {  	_ =	shalt  }
0x68: {  	_ =	shalt  }
0x69: {  	_ =	shalt  }
0x6a: {  	_ =	shalt  }
0x6b: {  	_ =	shalt  }
0x6c: {  	_ =	shalt  }
0x6d: {  	_ =	shalt  }
0x6e: {  	_ =	shalt  }
0x6f: {  	_ =	shalt  }
0x70: {  	_ =	shalt  }
0x71: {  	_ =	shalt  }
0x72: {  	_ =	shalt  }
0x73: {  	_ =	shalt  }
0x74: {  	_ =	shalt  }
0x75: {  	_ =	shalt  }
0x76: {  	_ =	shalt  }
0x77: {  	_ =	shalt  }
0x78: {  	_ =	shalt  }
0x79: {  	_ =	shalt  }
0x7a: {  	_ =	shalt  }
0x7b: {  	_ =	shalt  }
0x7c: {  	_ =	shalt  }
0x7d: {  	_ =	shalt  }
0x7e: {  	_ =	shalt  }
0x7f: {  	_ =	shalt  }
0x80: {  	_ =	shalt  }
0x81: {  	_ =	shalt  }
0x82: {  	_ =	shalt  }
0x83: {  	_ =	shalt  }
0x84: {  	_ =	shalt  }
0x85: {  	_ =	shalt  }
0x86: {  	_ =	shalt  }
0x87: {  	_ =	shalt  }
.Lfunc_end0:
.L_simem_size_0:
called_computation_lowered:
.L_overlay_start_0:
0x88: {  	s2 =	sld [smem:$0x3FD9]  }
0x89: {  	s3 =	sld [smem:$0x3FFE];
	_ =	sdelay $0x1  }
0x8a: {  	s1 =	srdreg.scid  }
0x8b: {  	s0 =	sand.u32 $0x1, s1  }
0x8c: {  	s17 =	sshll.u32 s0, $0xA;
	s2 =	sadd.s32 s3, s2  }
0x8d: {  	s2 =	sadd.s32 s2, s17  }
0x8e: {  	[smem:$0x3FC1] =	sst s2  }
0x8f: {  	_ = 	snop  }
0x90: {  	s2 =	sld [smem:$0x3FD0];
	(tm) =	ssettm $0x1  }
0x91: {  	s18 =	sld [smem:$0x3FFB];
	_ =	sdelay $0x3  }
0x92: {  	_ =	strace s18  }
0x93: {  	s3 =	sld [smem:$0x3FFC];
	_ =	sdelay $0x3  }
0x94: {  	_ =	strace s3  }
0x95: {  	s3 =	sld [smem:$0x3FFD];
	_ =	sdelay $0x3  }
0x96: {  	_ =	strace s3  }
0x97: {  	_ =	strace $0x8FFFFFFF  }
0x98: {  	s19 =	sld [smem:$0x3FDB];
	_ =	sdelay $0x1  }
0x99: {  	s4 =	simm.s32 $_scs_section_size  }
0x9a: {  	s5 =	simm.s32 $_size__tile_overlayer_lowered;
	s6 =	simm.s32 $_tile_overlayer_lowered  }
0x9b: {  	s22 =	simm.s32 $0x1BFF;
	s21 =	sshll.u32 s6, $0x1;
	s3 =	sadd.s32 s4, s19  }
0x9c: {  	s7 =	simm.s32 $0x0;
	s20 =	sshll.u32 s5, $0x1;
	s5 =	sadd.s32 s21, s3  }
0x9d: {  	[timem:s7], [sflag:s22] =	dma.local [hbm:s5], s20  }
0x9e: {  	_ =	swait.ge [sflag:s22], s20  }
0x9f: {  	s4 =	ssub.s32 $0x0, s20;
	[sflag:s22] =	ssyncset.done $0x0  }
0xa0: {  	[sflag:s22] =	ssyncadd.s32 s4;
	_ =	sdelay $0x1  }
0xa1: {  	s23 =	simm.s32 $0x1B8B  }
0xa2: {  	_ =	swait.ge [sflag:s23], $0x1  }
0xa3: {  	[sflag:s23] =	ssyncset.done $0x0  }
0xa4: {  	s25 =	simm.s32 $0x1B8E;
	s24 =	sld [smem:$0x3FFE];
	[sflag:s23] =	ssyncadd.s32 $0xFFFFFFFF  }
0xa5: {  	s26 =	simm.s32 $execute0_lowered;
	[smem:$0x3FD2] =	sst s25  }
0xa6: {  	s5 =	sshll.u32 s26, $0x1;
	_ =	strace $0x80000046;
	[dreg:$0x1] =	wrdreg $0xFFFFFFFF  }
0xa7: {  	s28 =	simm.s32 $_size_execute0_lowered;
	s3 =	sadd.s32 s3, s5;
	[dreg:$0x0] =	wrdreg $0x0  }
0xa8: {  	s5 =	sshll.u32 s28, $0x1;
	[dreg:$0x2] =	wrdreg s3  }
0xa9: {  	[dreg:$0x3] =	wrdreg s5  }
0xaa: {  	[dreg:$0x4] =	wrdreg $0xC0  }
0xab: {  	_ =	task [dreg:s7], $0x5FFFF  }
0xac: {  	[dreg:$0x1] =	wrdreg $0xFFFFFFFF  }
0xad: {  	[dreg:$0x0] =	wrdreg $0x60  }
0xae: {  	[dreg:$0x2] =	wrdreg s24  }
0xaf: {  	[dreg:$0x3] =	wrdreg s2  }
0xb0: {  	[dreg:$0x4] =	wrdreg $0x9  }
0xb1: {  	_ =	task.clear_ibuf [dreg:s7], $0x5FFFF;
	_ =	strace $0x90000046  }
0xb2: {  	s29 =	simm.s32 $0x9;
	_ =	strace $0x80000048  }
0xb3: {  	_ =	swait.ge [sflag:s29], $0x1  }
0xb4: {  	[sflag:s29] =	ssyncadd.s32 $0xFFFFFFFF  }
0xb5: {  	_ =	strace $0x90000048  }
0xb6: {  	_ =	sfence  }
0xb7: {  	s30 =	sld [smem:$0x0];
	_ =	sdelay $0x2  }
0xb8: {  	s31 =	sshll.u32 s1, $0xD;
	s1 =	sshrl.u32 s1, $0x2  }
0xb9: {  	s3 =	sand.u32 $0x4000, s31;
	s1 =	sadd.s32 s1, s30  }
0xba: {  	s0 =	sor.u32 s3, s0;
	s1 =	sshll.u32 s1, $0x11  }
0xbb: {  	s0 =	sor.u32 s1, s0  }
0xbc: {  	s0 =	sadd.s32 $0x8F2B, s0  }
0xbd: {  	[sflag:s0] =	ssyncadd.remote.s32 $0x1  }
0xbe: {  	_ =	sfence.sel $0xFFFF  }
0xbf: {  	[dreg:$0x0] =	wrdreg $0xFFFFFFFF;
	(pc) =	sbr.abs _section_cstart, $3  }
0xc0: {  	[dreg:$0x1] =	wrdreg $0xFFFFFFFF  }
0xc1: {  	_ =	task.clear_ibuf [dreg:s7], $0x2FFFF;
	_ =	strace $0x9FFFFFFF  }
0xc2: {  	(tm) =	ssettm $0x7FFFFFFF  }
0xc3: {  	_ =	shalt  }
tec
execute0_lowered:
.L_overlay_start_1:
0x0: {  	(tag) =	ssettag $0x1  }
0x1: {  	s5 =	rddreg [dreg:$0x0]  }
0x2: {  	s2 =	rddreg [dreg:$0x1];
	s3 =	srdreg.scid  }
0x3: {  	s0 =	rddreg [dreg:$0x2];
	s1 =	stileid.u32;
	s9 =	simm.s32 $0x1  }
0x4: {  	s10 =	simm.s32 $0x0;
	s4 =	sand.u32 $0x1, s3;
	s3 =	simm.s32 $0x0  }
0x5: {  	s7 =	sshll.u32 s1, $0x1;
	s5 =	sadd.s32 $0x1C00, s5;
	s6 =	ssub.s32 $0x2, s4  }
0x6: {  	[smem:$0x7FF] =	sst s3;
	s4 =	sor.u32 s4, s7;
	s8 =	sshrl.u32 s6, $0x1  }
0x7: {  	_ =	strace $0x80000047;
	s7 =	ssub.s32 $0xD3, s4;
	s6 =	ssub.s32 s6, s8  }
0x8: {  	s7 =	sshrl.u32 s7, $0x5;
	s8 =	simm.s32 $0x2;
	s6 =	smax.u32 s6, $0x1  }
.LBB2_1:
0x9: {  	[tilespmem:s3], [sflag:$0x2] =	stream.linear.gather [hbm4b:s5+s3], $0x1A400, $0x38;
	[tilespmem:$0x1A400] =	vst v63  }
0xa: {  	p0 =	sne.s32 s7, $0x1  }
.Ltmp0:
0xb: {  	_ = 	snop;
	(pc) =	sbr.rel @!p0 .LBB2_2-.Ltmp0, $4  }
0xc: {  	s11 =	smulhi.u32 $0xB60B60B7, s4  }
0xd: {  	s13 =	sshra.s32 s4, $0x1F;
	s12 =	sadd.s32 $0x20, s4;
	_ =	swait.ge [sflag:s8], $0x1A400  }
0xe: {  	p1 =	por $0x0, $0x0;
	s17 =	smul.u32 $0xB60B60B7, s13;
	[sflag:s8] =	ssyncset.done $0x0  }
0xf: {  	s18 =	ssub.s32 s11, s4;
	s11 =	sadd.s32 $0xFFFFFFFF, s7;
	[sflag:s8] =	ssyncadd.s32 $0xFFFE5C00  }
0x10: {  	s13 =	sadd.s32 s17, s18  }
0x11: {  	s13 =	sadd.s32 s4, s13  }
0x12: {  	s14 =	sshrl.u32 s13, $0x1F;
	s13 =	sshra.s32 s13, $0x5  }
0x13: {  	s16 =	smulhi.u32 $0xB60B60B7, s12;
	s13 =	sadd.s32 s14, s13  }
0x14: {  	p2 =	sne.s32 s11, $0x1;
	s15 =	smul.u32 $0xFFFFFFD3, s13  }
.Ltmp1:
0x15: {  	_ = 	snop;
	(pc) =	sbr.rel @!p2 .LBB2_5-.Ltmp1, $4  }
0x16: {  	s31 =	sshra.s32 s12, $0x1F;
	p1 =	slt.s32 s4, $0x1  }
0x17: {  	s17 =	smul.u32 $0xB60B60B7, s31;
	s18 =	ssub.s32 s16, s12;
	s15 =	sadd.s32 s4, s15  }
0x18: {  	s16 =	sadd.s32 $0xFFFFFFFF, s11;
	s14 =	sadd.s32 $0x20, s12;
	p3 =	sne.s32 s15, $0x0  }
0x19: {  	p4 =	por !p1, !p3;
	p3 =	slt.s32 s15, $0x0;
	p1 =	por $0x1, $0x1  }
.LBB2_4:
0x1a: {  	p2 =	sne.s32 s16, $0x1  }
0x1b: {  	p4 =	por !p4, !p4;
	s19 =	sadd.s32 $0x2D, s15;
	s20 =	smov.u32 s12  }
0x1c: {  	s12 =	smov.u32 s14;
	s17 =	sadd.s32 s17, s18;
	s18 =	simm.s32 $0x1  }
0x1d: {  	s18 =	simm.s32 @!p4 $0x0;
	s15 =	smov.u32 @p3 s19  }
0x1e: {  	s17 =	sadd.s32 s20, s17;
	s13 =	ssub.s32 s13, s18;
	s15 =	smul.u32 $0x1A400, s15  }
0x1f: {  	s18 =	sshrl.u32 s17, $0x1F;
	s17 =	sshra.s32 s17, $0x5;
	s19 =	smul.u32 $0x627000, s13  }
0x20: {  	s21 =	smulhi.u32 $0xB60B60B7, s14;
	s14 =	sadd.s32 $0x20, s14;
	s13 =	sadd.s32 s18, s17  }
0x21: {  	p3 =	slt.s32 s20, $0x1;
	s18 =	smul.u32 $0xFFFFFFD3, s13;
	s15 =	sadd.s32 s19, s15  }
.Ltmp2:
0x22: {  	s17 =	sshra.s32 s12, $0x1F;
	s19 =	sadd.s32 $0x189C00, s15;
	(pc) =	sbr.rel @p2 .LBB2_4-.Ltmp2, $4  }
0x23: {  	s17 =	smul.u32 $0xB60B60B7, s17;
	s15 =	sadd.s32 s20, s18;
	s19 =	sshrl.u32 s19, $0x3  }
0x24: {  	s18 =	ssub.s32 s21, s12;
	p4 =	sne.s32 s15, $0x0;
	s19 =	sadd.s32 s2, s19  }
0x25: {  	[hbm4b:s19+s3] =	stream.linear.scatter [tilespmem:s3], [sflag:$0x1], $0x1A400, $0x38;
	[tilespmem:$0x1A400] =	vst v63  }
0x26: {  	s16 =	sadd.s32 $0xFFFFFFFF, s16;
	p4 =	por !p3, !p4;
	p3 =	slt.s32 s15, $0x0  }
.LBB2_5:
0x27: {  	s14 =	sadd.s32 s17, s18  }
0x28: {  	p2 =	por @p1 !p4, !p4;
	s17 =	simm.s32 $0x1;
	s14 =	sadd.s32 s12, s14  }
0x29: {  	p2 =	por !p2, !p1;
	s16 =	sshrl.u32 s14, $0x1F;
	s14 =	sshra.s32 s14, $0x5  }
0x2a: {  	s17 =	simm.s32 @p2 $0x0;
	p2 =	por !p3, !p1;
	s14 =	sadd.s32 s16, s14  }
0x2b: {  	s16 =	sadd.s32 @p1 $0x2D, s15;
	s13 =	ssub.s32 @p1 s13, s17;
	s28 =	smul.u32 $0xFFFFFFD3, s14  }
0x2c: {  	s16 =	smov.u32 @p2 s15;
	s13 =	smul.u32 @p1 $0x627000, s13  }
0x2d: {  	s16 =	smul.u32 @p1 $0x1A400, s16;
	s15 =	sadd.s32 s12, s28  }
0x2e: {  	p5 =	slt.s32 s12, $0x1;
	p6 =	sne.s32 s15, $0x0  }
0x2f: {  	s12 =	sadd.s32 @p1 s13, s16;
	p3 =	slt.s32 s15, $0x0;
	p2 =	por !p5, !p6  }
0x30: {  	s13 =	sadd.s32 $0x2D, s15;
	s16 =	simm.s32 $0x1;
	p2 =	por !p2, !p2  }
0x31: {  	s12 =	sadd.s32 @p1 $0x189C00, s12;
	s15 =	smov.u32 @p3 s13;
	s16 =	simm.s32 @!p2 $0x0  }
0x32: {  	s12 =	sshrl.u32 @p1 s12, $0x3;
	s30 =	smul.u32 $0x1A400, s15;
	s29 =	ssub.s32 s14, s16  }
0x33: {  	s12 =	sadd.s32 @p1 s2, s12;
	s13 =	smul.u32 $0x627000, s29  }
0x34: {  	[hbm4b:s12+s3] =	stream.linear.scatter @p1 [tilespmem:s3], [sflag:$0x1], $0x1A400, $0x38;
	[tilespmem:$0x1A400] =	vst v63  }
0x35: {  	s31 =	sadd.s32 s13, s30  }
0x36: {  	s12 =	sadd.s32 $0x189C00, s31  }
.Ltmp3:
0x37: {  	s12 =	sshrl.u32 s12, $0x3;
	(pc) =	sbr.rel @!p0 .LBB2_7-.Ltmp3, $4  }
0x38: {  	s12 =	sadd.s32 s2, s12  }
0x39: {  	[hbm4b:s12+s3] =	stream.linear.scatter [tilespmem:s3], [sflag:$0x1], $0x1A400, $0x38;
	[tilespmem:$0x1A400] =	vst v63  }
0x3a: {  	_ =	swait.ge [sflag:s9], $0x1A400  }
0x3b: {  	[sflag:s9] =	ssyncset.done $0x0  }
.LBB2_6:
0x3c: {  	p0 =	sne.s32 s11, $0x1;
	s11 =	sadd.s32 $0xFFFFFFFF, s11;
	[sflag:s9] =	ssyncadd.s32 $0xFFFE5C00  }
.Ltmp4:
0x3d: {  	(pc) =	sbr.rel @p0 .LBB2_6-.Ltmp4, $3  }
0x3e: {  	_ =	sdelay $0x1  }
0x3f: {  	_ =	swait.ge [sflag:s9], $0x1A400  }
0x40: {  	[sflag:s9] =	ssyncset.done $0x0  }
.LBB2_7:
0x41: {  	s10 =	sadd.s32 $0x1, s10  }
0x42: {  	p0 =	sne.s32 s10, s6  }
.Ltmp5:
0x43: {  	_ = 	snop;
	(pc) =	sbr.rel @p0 .LBB2_1-.Ltmp5, $4  }
.Ltmp6:
0x44: {  	_ = 	snop;
	(pc) =	sbr.rel @!p0 .LBB2_8-.Ltmp6, $4  }
0x45: {  	_ = 	snop  }
0x46: {  	_ = 	snop  }
0x47: {  	[sflag:s9] =	ssyncadd.s32 $0xFFFE5C00  }
0x48: {  	_ = 	snop  }
.LBB2_2:
.Ltmp7:
0x49: {  	(pc) =	sbr.rel .LBB2_5-.Ltmp7, $2  }
0x4a: {  	_ =	sdelay $0x2  }
0x4b: {  	s12 =	smov.u32 s4  }
.LBB2_8:
0x4c: {  	_ =	sfence.sel $0x180000  }
0x4d: {  	[bflag:$0x0] =	sbarrier.arrive $0xFFFF  }
0x4e: {  	p0 =	sne.s32 s1, $0x0;
	_ =	strace $0x90000047  }
0x4f: {  	s0 =	sadd.s32 @!p0 $0x100000, s0;
	[bflag:$0x2] =	sbarrier.arrive $0xFFFF  }
0x50: {  	[sflag:s0] =	ssyncadd.tile.s32 @!p0 $0x1;
	_ =	shalt  }
.Lfunc_end2:
_tile_overlayer_lowered:
.L_overlay_start_2:
0x51: {  	(tag) =	ssettag $0x2  }
0x52: {  	s0 =	rddreg [dreg:$0x0];
	s2 =	stileid.u32  }
0x53: {  	s1 =	rddreg [dreg:$0x1];
	p0 =	sne.s32 s2, $0x0  }
0x54: {  	s3 =	rddreg [dreg:$0x2];
	[bflag:$0x3] =	sbarrier.arrive $0xFFFF;
	s2 =	simm.s32 @!p0 $0x1C02  }
0x55: {  	[timem:s3], [sflag:s2] =	dma.local @!p0 [hbm:s0], s1  }
0x56: {  	s0 =	simm.s32 @!p0 $0x2  }
0x57: {  	_ =	swait.ge @!p0 [sflag:s0], s1  }
0x58: {  	s1 =	ssub.s32 @!p0 $0x0, s1;
	[sflag:s0] =	ssyncset.done @!p0 $0x0  }
0x59: {  	[sflag:s0] =	ssyncadd.s32 @!p0 s1  }
0x5a: {  	[bflag:$0x3] =	sbarrier.arrive $0xFFFF  }
0x5b: {  	_ =	shalt  }

</sc_bundles>
